<compile_context>
chip_gen: v7x
topology: tpu7x:2x2x1
jax: 0.10.2.dev20260603
libtpu: 0.0.44.dev20260713+nightly
codegen_flags: <defaults>
</compile_context>

<pallas_src>
import functools

import jax
import jax.numpy as jnp
from jax import lax
from jax.experimental import pallas as pl
from jax.experimental.pallas import tpu as pltpu
from jax.experimental.pallas import tpu_sc as plsc

_INFO = plsc.get_sparse_core_info()
_NC, _NS = _INFO.num_cores, _INFO.num_subcores
_NW = _NC * _NS

_TOK = 4


@functools.cache
def _build(T, batch, v, d):
    rows = _TOK * batch
    n_active = T // _TOK
    mesh = plsc.VectorSubcoreMesh(core_axis_name="c", subcore_axis_name="s")

    @functools.partial(
        pl.kernel,
        out_type=jax.ShapeDtypeStruct((T, batch, d), jnp.float32),
        mesh=mesh,
        scratch_types=[
            pltpu.VMEM((rows,), jnp.int32),
            pltpu.VMEM((rows, d), jnp.float32),
            pltpu.SemaphoreType.DMA,
            pltpu.SemaphoreType.DMA,
        ],
    )
    def gather_kernel(iv_hbm, table_hbm, out_hbm, idx_v, rows_v, sem, sem_w):
        wid = lax.axis_index("s") * _NC + lax.axis_index("c")

        @pl.when(wid < n_active)
        def _():
            t0 = wid * _TOK
            pltpu.sync_copy(iv_hbm.at[pl.ds(t0 * batch, rows)], idx_v)
            pltpu.async_copy(table_hbm.at[idx_v], rows_v, sem).wait()
            writes = [
                pltpu.async_copy(
                    rows_v.at[pl.ds(k * batch, batch)],
                    out_hbm.at[t0 + k],
                    sem_w,
                )
                for k in range(_TOK)
            ]
            for w in writes:
                w.wait()

    return gather_kernel


def kernel(indices, embedding):
    batch, t = indices.shape
    v, d = embedding.shape
    iv = indices.astype(jnp.int32).T.reshape(t * batch)
    out = _build(t, batch, v, d)(iv, embedding)
    return out.transpose(1, 0, 2)

# --- scband reference (transcript-rebuilt; emitter-appended) ---
"""Pipeline reference for scband-prompt-embedding-3607772528825 (READ-ONLY COPY).

The authoritative reference and input builder live on the scoring server;
editing this copy changes nothing except your own understanding.
"""

import jax, jax.numpy as jnp
import numpy as np

TOTAL_VIRTUAL_TOKENS = 100  # num_virtual_tokens * num_transformer_submodules
TOKEN_DIM = 4096
BATCH = 4


def setup_inputs(seed: int = 0) -> dict:
    key = jax.random.key(seed)
    k_idx, k_emb = jax.random.split(key)
    indices = jax.random.randint(k_idx, (BATCH, TOTAL_VIRTUAL_TOKENS), 0, TOTAL_VIRTUAL_TOKENS)
    # learned prompt embedding table (RANDOM init, like torch.nn.Embedding default ~N(0,1))
    embedding = jax.random.normal(k_emb, (TOTAL_VIRTUAL_TOKENS, TOKEN_DIM), dtype=jnp.float32)
    return {"indices": indices, "embedding": embedding}


def reference(indices, embedding):
    # prompt_embeddings = self.embedding(indices)
    prompt_embeddings = jnp.take(embedding, indices, axis=0)
    return prompt_embeddings

if __name__ == "__main__":
    import jax
    _d = setup_inputs()
    print(jax.jit(kernel)(*tuple(_d.values())))

</pallas_src>

<mosaic_0001>
#map = affine_map<(d0, d1) -> (0)>
#map1 = affine_map<(d0, d1) -> (0, 0)>
#map2 = affine_map<(d0, d1) -> (0, 0, 0)>
module attributes {stable_mosaic.version = 14 : i64} {
  func.func @gather_kernel(%arg0: i32, %arg1: i32, %arg2: memref<400xi32, #tpu.memory_space<hbm>>, %arg3: memref<100x4096xf32, #tpu.memory_space<hbm>>, %arg4: memref<100x4x4096xf32, #tpu.memory_space<hbm>>, %arg5: memref<16xi32, #tpu.memory_space<vmem>>, %arg6: memref<16x4096xf32, #tpu.memory_space<vmem>>, %arg7: memref<!tpu.dma_semaphore, #tpu.memory_space<semaphore_mem>>, %arg8: memref<!tpu.dma_semaphore, #tpu.memory_space<semaphore_mem>>) attributes {dimension_semantics = [#tpu.dimension_semantics<core_parallel>, #tpu.dimension_semantics<subcore_parallel>], iteration_bounds = array<i64: 2, 16>, scalar_prefetch = 0 : i64, scratch_operands = 4 : i64, tpu.core_type = #tpu.core_type<sc_vector_subcore>, window_params = [{transform_indices = #map}, {transform_indices = #map1}, {transform_indices = #map2}]} {
    %mul3A = arith.constant 2 : i32
    %mul3A_0 = arith.muli %arg1, %mul3A : i32
    %add3A = arith.addi %mul3A_0, %arg0 : i32
    %lt3A = arith.constant 25 : i32
    %lt3A_1 = arith.cmpi slt, %add3A, %lt3A : i32
    %convert_element_type3A = arith.extui %lt3A_1 : i1 to i32
    %cond3A = arith.constant 0 : i32
    %cond3A_2 = arith.cmpi ne, %convert_element_type3A, %cond3A : i32
    scf.if %cond3A_2 {
      %mul3A_3 = arith.constant 4 : i32
      %mul3A_4 = arith.muli %add3A, %mul3A_3 : i32
      %mul3A_5 = arith.constant 4 : i32
      %mul3A_6 = arith.muli %mul3A_4, %mul3A_5 : i32
      "tpu.region"() ({
        %run_scoped3A = tpu.sem_alloc : memref<!tpu.dma_semaphore, #tpu.memory_space<semaphore_mem>>
        %dma_start3A_131 = tpu.memref_slice %arg2[%mul3A_6] : memref<400xi32, #tpu.memory_space<hbm>> -> memref<16xi32, #tpu.memory_space<hbm>>
        %dma_start3A_132 = tpu.memref_slice %arg2[%mul3A_6] : memref<400xi32, #tpu.memory_space<hbm>> -> memref<16xi32, #tpu.memory_space<hbm>>
        tpu.enqueue_dma source(%dma_start3A_132 : memref<16xi32, #tpu.memory_space<hbm>>) target(%arg5 : memref<16xi32, #tpu.memory_space<vmem>>) target_semaphore(%run_scoped3A : memref<!tpu.dma_semaphore, #tpu.memory_space<semaphore_mem>>)
        %dma_wait3A_133 = tpu.memref_slice %arg2[%mul3A_6] : memref<400xi32, #tpu.memory_space<hbm>> -> memref<16xi32, #tpu.memory_space<hbm>>
        %dma_wait3A_134 = tpu.memref_slice %arg2[%mul3A_6] : memref<400xi32, #tpu.memory_space<hbm>> -> memref<16xi32, #tpu.memory_space<hbm>>
        tpu.wait_dma2 semaphore(%run_scoped3A : memref<!tpu.dma_semaphore, #tpu.memory_space<semaphore_mem>>) src(%dma_wait3A_134 : memref<16xi32, #tpu.memory_space<hbm>>) dst(%arg5 : memref<16xi32, #tpu.memory_space<vmem>>)
        tpu.yield
      }) : () -> ()
      %dma_start3A = arith.constant 0 : i32
      %dma_start3A_7 = arith.constant 0 : i32
      %dma_start3A_8 = tpu.memref_slice %arg3[%dma_start3A, %dma_start3A_7] : memref<100x4096xf32, #tpu.memory_space<hbm>> -> memref<100x4096xf32, #tpu.memory_space<hbm>>
      tpu.enqueue_indirect_dma source(%dma_start3A_8 : memref<100x4096xf32, #tpu.memory_space<hbm>>) target(%arg6 : memref<16x4096xf32, #tpu.memory_space<vmem>>) offsets(%arg5 : memref<16xi32, #tpu.memory_space<vmem>>) semaphore(%arg7 : memref<!tpu.dma_semaphore, #tpu.memory_space<semaphore_mem>>)
      %dma_wait3A = arith.constant 0 : i32
      %dma_wait3A_9 = arith.constant 0 : i32
      %dma_wait3A_10 = tpu.memref_slice %arg3[%dma_wait3A, %dma_wait3A_9] : memref<100x4096xf32, #tpu.memory_space<hbm>> -> memref<100x4096xf32, #tpu.memory_space<hbm>>
      tpu.wait_indirect_dma semaphore(%arg7 : memref<!tpu.dma_semaphore, #tpu.memory_space<semaphore_mem>>) src(%dma_wait3A_10 : memref<100x4096xf32, #tpu.memory_space<hbm>>) dst(%arg6 : memref<16x4096xf32, #tpu.memory_space<vmem>>)
      %add3A_11 = arith.constant 0 : i32
      %add3A_12 = arith.addi %mul3A_4, %add3A_11 : i32
      %dma_start3A_13 = arith.constant 0 : i32
      %dma_start3A_14 = arith.constant 0 : i32
      %dma_start3A_15 = tpu.memref_slice %arg6[%dma_start3A_13, %dma_start3A_14] : memref<16x4096xf32, #tpu.memory_space<vmem>> -> memref<4x4096xf32, #tpu.memory_space<vmem>>
      %dma_start3A_16 = arith.constant 0 : i32
      %dma_start3A_17 = arith.constant 0 : i32
      %dma_start3A_18 = tpu.memref_slice %arg4[%add3A_12, %dma_start3A_16, %dma_start3A_17] : memref<100x4x4096xf32, #tpu.memory_space<hbm>> -> memref<1x4x4096xf32, #tpu.memory_space<hbm>>
      %dma_start3A_19 = tpu.memref_squeeze %dma_start3A_18 : memref<1x4x4096xf32, #tpu.memory_space<hbm>> -> memref<4x4096xf32, #tpu.memory_space<hbm>>
      %dma_start3A_20 = arith.constant 0 : i32
      %dma_start3A_21 = arith.constant 0 : i32
      %dma_start3A_22 = tpu.memref_slice %arg4[%add3A_12, %dma_start3A_20, %dma_start3A_21] : memref<100x4x4096xf32, #tpu.memory_space<hbm>> -> memref<1x4x4096xf32, #tpu.memory_space<hbm>>
      %dma_start3A_23 = tpu.memref_squeeze %dma_start3A_22 : memref<1x4x4096xf32, #tpu.memory_space<hbm>> -> memref<4x4096xf32, #tpu.memory_space<hbm>>
      %dma_start3A_24 = arith.constant 0 : i32
      %dma_start3A_25 = arith.constant 0 : i32
      %dma_start3A_26 = tpu.memref_slice %arg6[%dma_start3A_24, %dma_start3A_25] : memref<16x4096xf32, #tpu.memory_space<vmem>> -> memref<4x4096xf32, #tpu.memory_space<vmem>>
      tpu.enqueue_dma source(%dma_start3A_26 : memref<4x4096xf32, #tpu.memory_space<vmem>>) target(%dma_start3A_23 : memref<4x4096xf32, #tpu.memory_space<hbm>>) target_semaphore(%arg8 : memref<!tpu.dma_semaphore, #tpu.memory_space<semaphore_mem>>)
      %add3A_27 = arith.constant 1 : i32
      %add3A_28 = arith.addi %mul3A_4, %add3A_27 : i32
      %dma_start3A_29 = arith.constant 4 : i32
      %dma_start3A_30 = arith.constant 0 : i32
      %dma_start3A_31 = tpu.memref_slice %arg6[%dma_start3A_29, %dma_start3A_30] : memref<16x4096xf32, #tpu.memory_space<vmem>> -> memref<4x4096xf32, #tpu.memory_space<vmem>>
      %dma_start3A_32 = arith.constant 0 : i32
      %dma_start3A_33 = arith.constant 0 : i32
      %dma_start3A_34 = tpu.memref_slice %arg4[%add3A_28, %dma_start3A_32, %dma_start3A_33] : memref<100x4x4096xf32, #tpu.memory_space<hbm>> -> memref<1x4x4096xf32, #tpu.memory_space<hbm>>
      %dma_start3A_35 = tpu.memref_squeeze %dma_start3A_34 : memref<1x4x4096xf32, #tpu.memory_space<hbm>> -> memref<4x4096xf32, #tpu.memory_space<hbm>>
      %dma_start3A_36 = arith.constant 0 : i32
      %dma_start3A_37 = arith.constant 0 : i32
      %dma_start3A_38 = tpu.memref_slice %arg4[%add3A_28, %dma_start3A_36, %dma_start3A_37] : memref<100x4x4096xf32, #tpu.memory_space<hbm>> -> memref<1x4x4096xf32, #tpu.memory_space<hbm>>
      %dma_start3A_39 = tpu.memref_squeeze %dma_start3A_38 : memref<1x4x4096xf32, #tpu.memory_space<hbm>> -> memref<4x4096xf32, #tpu.memory_space<hbm>>
      %dma_start3A_40 = arith.constant 4 : i32
      %dma_start3A_41 = arith.constant 0 : i32
      %dma_start3A_42 = tpu.memref_slice %arg6[%dma_start3A_40, %dma_start3A_41] : memref<16x4096xf32, #tpu.memory_space<vmem>> -> memref<4x4096xf32, #tpu.memory_space<vmem>>
      tpu.enqueue_dma source(%dma_start3A_42 : memref<4x4096xf32, #tpu.memory_space<vmem>>) target(%dma_start3A_39 : memref<4x4096xf32, #tpu.memory_space<hbm>>) target_semaphore(%arg8 : memref<!tpu.dma_semaphore, #tpu.memory_space<semaphore_mem>>)
      %add3A_43 = arith.constant 2 : i32
      %add3A_44 = arith.addi %mul3A_4, %add3A_43 : i32
      %dma_start3A_45 = arith.constant 8 : i32
      %dma_start3A_46 = arith.constant 0 : i32
      %dma_start3A_47 = tpu.memref_slice %arg6[%dma_start3A_45, %dma_start3A_46] : memref<16x4096xf32, #tpu.memory_space<vmem>> -> memref<4x4096xf32, #tpu.memory_space<vmem>>
      %dma_start3A_48 = arith.constant 0 : i32
      %dma_start3A_49 = arith.constant 0 : i32
      %dma_start3A_50 = tpu.memref_slice %arg4[%add3A_44, %dma_start3A_48, %dma_start3A_49] : memref<100x4x4096xf32, #tpu.memory_space<hbm>> -> memref<1x4x4096xf32, #tpu.memory_space<hbm>>
      %dma_start3A_51 = tpu.memref_squeeze %dma_start3A_50 : memref<1x4x4096xf32, #tpu.memory_space<hbm>> -> memref<4x4096xf32, #tpu.memory_space<hbm>>
      %dma_start3A_52 = arith.constant 0 : i32
      %dma_start3A_53 = arith.constant 0 : i32
      %dma_start3A_54 = tpu.memref_slice %arg4[%add3A_44, %dma_start3A_52, %dma_start3A_53] : memref<100x4x4096xf32, #tpu.memory_space<hbm>> -> memref<1x4x4096xf32, #tpu.memory_space<hbm>>
      %dma_start3A_55 = tpu.memref_squeeze %dma_start3A_54 : memref<1x4x4096xf32, #tpu.memory_space<hbm>> -> memref<4x4096xf32, #tpu.memory_space<hbm>>
      %dma_start3A_56 = arith.constant 8 : i32
      %dma_start3A_57 = arith.constant 0 : i32
      %dma_start3A_58 = tpu.memref_slice %arg6[%dma_start3A_56, %dma_start3A_57] : memref<16x4096xf32, #tpu.memory_space<vmem>> -> memref<4x4096xf32, #tpu.memory_space<vmem>>
      tpu.enqueue_dma source(%dma_start3A_58 : memref<4x4096xf32, #tpu.memory_space<vmem>>) target(%dma_start3A_55 : memref<4x4096xf32, #tpu.memory_space<hbm>>) target_semaphore(%arg8 : memref<!tpu.dma_semaphore, #tpu.memory_space<semaphore_mem>>)
      %add3A_59 = arith.constant 3 : i32
      %add3A_60 = arith.addi %mul3A_4, %add3A_59 : i32
      %dma_start3A_61 = arith.constant 12 : i32
      %dma_start3A_62 = arith.constant 0 : i32
      %dma_start3A_63 = tpu.memref_slice %arg6[%dma_start3A_61, %dma_start3A_62] : memref<16x4096xf32, #tpu.memory_space<vmem>> -> memref<4x4096xf32, #tpu.memory_space<vmem>>
      %dma_start3A_64 = arith.constant 0 : i32
      %dma_start3A_65 = arith.constant 0 : i32
      %dma_start3A_66 = tpu.memref_slice %arg4[%add3A_60, %dma_start3A_64, %dma_start3A_65] : memref<100x4x4096xf32, #tpu.memory_space<hbm>> -> memref<1x4x4096xf32, #tpu.memory_space<hbm>>
      %dma_start3A_67 = tpu.memref_squeeze %dma_start3A_66 : memref<1x4x4096xf32, #tpu.memory_space<hbm>> -> memref<4x4096xf32, #tpu.memory_space<hbm>>
      %dma_start3A_68 = arith.constant 0 : i32
      %dma_start3A_69 = arith.constant 0 : i32
      %dma_start3A_70 = tpu.memref_slice %arg4[%add3A_60, %dma_start3A_68, %dma_start3A_69] : memref<100x4x4096xf32, #tpu.memory_space<hbm>> -> memref<1x4x4096xf32, #tpu.memory_space<hbm>>
      %dma_start3A_71 = tpu.memref_squeeze %dma_start3A_70 : memref<1x4x4096xf32, #tpu.memory_space<hbm>> -> memref<4x4096xf32, #tpu.memory_space<hbm>>
      %dma_start3A_72 = arith.constant 12 : i32
      %dma_start3A_73 = arith.constant 0 : i32
      %dma_start3A_74 = tpu.memref_slice %arg6[%dma_start3A_72, %dma_start3A_73] : memref<16x4096xf32, #tpu.memory_space<vmem>> -> memref<4x4096xf32, #tpu.memory_space<vmem>>
      tpu.enqueue_dma source(%dma_start3A_74 : memref<4x4096xf32, #tpu.memory_space<vmem>>) target(%dma_start3A_71 : memref<4x4096xf32, #tpu.memory_space<hbm>>) target_semaphore(%arg8 : memref<!tpu.dma_semaphore, #tpu.memory_space<semaphore_mem>>)
      %dma_wait3A_75 = arith.constant 0 : i32
      %dma_wait3A_76 = arith.constant 0 : i32
      %dma_wait3A_77 = tpu.memref_slice %arg6[%dma_wait3A_75, %dma_wait3A_76] : memref<16x4096xf32, #tpu.memory_space<vmem>> -> memref<4x4096xf32, #tpu.memory_space<vmem>>
      %dma_wait3A_78 = arith.constant 0 : i32
      %dma_wait3A_79 = arith.constant 0 : i32
      %dma_wait3A_80 = tpu.memref_slice %arg4[%add3A_12, %dma_wait3A_78, %dma_wait3A_79] : memref<100x4x4096xf32, #tpu.memory_space<hbm>> -> memref<1x4x4096xf32, #tpu.memory_space<hbm>>
      %dma_wait3A_81 = tpu.memref_squeeze %dma_wait3A_80 : memref<1x4x4096xf32, #tpu.memory_space<hbm>> -> memref<4x4096xf32, #tpu.memory_space<hbm>>
      %dma_wait3A_82 = arith.constant 0 : i32
      %dma_wait3A_83 = arith.constant 0 : i32
      %dma_wait3A_84 = tpu.memref_slice %arg4[%add3A_12, %dma_wait3A_82, %dma_wait3A_83] : memref<100x4x4096xf32, #tpu.memory_space<hbm>> -> memref<1x4x4096xf32, #tpu.memory_space<hbm>>
      %dma_wait3A_85 = tpu.memref_squeeze %dma_wait3A_84 : memref<1x4x4096xf32, #tpu.memory_space<hbm>> -> memref<4x4096xf32, #tpu.memory_space<hbm>>
      %dma_wait3A_86 = arith.constant 0 : i32
      %dma_wait3A_87 = arith.constant 0 : i32
      %dma_wait3A_88 = tpu.memref_slice %arg6[%dma_wait3A_86, %dma_wait3A_87] : memref<16x4096xf32, #tpu.memory_space<vmem>> -> memref<4x4096xf32, #tpu.memory_space<vmem>>
      tpu.wait_dma2 semaphore(%arg8 : memref<!tpu.dma_semaphore, #tpu.memory_space<semaphore_mem>>) src(%dma_wait3A_88 : memref<4x4096xf32, #tpu.memory_space<vmem>>) dst(%dma_wait3A_85 : memref<4x4096xf32, #tpu.memory_space<hbm>>)
      %dma_wait3A_89 = arith.constant 4 : i32
      %dma_wait3A_90 = arith.constant 0 : i32
      %dma_wait3A_91 = tpu.memref_slice %arg6[%dma_wait3A_89, %dma_wait3A_90] : memref<16x4096xf32, #tpu.memory_space<vmem>> -> memref<4x4096xf32, #tpu.memory_space<vmem>>
      %dma_wait3A_92 = arith.constant 0 : i32
      %dma_wait3A_93 = arith.constant 0 : i32
      %dma_wait3A_94 = tpu.memref_slice %arg4[%add3A_28, %dma_wait3A_92, %dma_wait3A_93] : memref<100x4x4096xf32, #tpu.memory_space<hbm>> -> memref<1x4x4096xf32, #tpu.memory_space<hbm>>
      %dma_wait3A_95 = tpu.memref_squeeze %dma_wait3A_94 : memref<1x4x4096xf32, #tpu.memory_space<hbm>> -> memref<4x4096xf32, #tpu.memory_space<hbm>>
      %dma_wait3A_96 = arith.constant 0 : i32
      %dma_wait3A_97 = arith.constant 0 : i32
      %dma_wait3A_98 = tpu.memref_slice %arg4[%add3A_28, %dma_wait3A_96, %dma_wait3A_97] : memref<100x4x4096xf32, #tpu.memory_space<hbm>> -> memref<1x4x4096xf32, #tpu.memory_space<hbm>>
      %dma_wait3A_99 = tpu.memref_squeeze %dma_wait3A_98 : memref<1x4x4096xf32, #tpu.memory_space<hbm>> -> memref<4x4096xf32, #tpu.memory_space<hbm>>
      %dma_wait3A_100 = arith.constant 4 : i32
      %dma_wait3A_101 = arith.constant 0 : i32
      %dma_wait3A_102 = tpu.memref_slice %arg6[%dma_wait3A_100, %dma_wait3A_101] : memref<16x4096xf32, #tpu.memory_space<vmem>> -> memref<4x4096xf32, #tpu.memory_space<vmem>>
      tpu.wait_dma2 semaphore(%arg8 : memref<!tpu.dma_semaphore, #tpu.memory_space<semaphore_mem>>) src(%dma_wait3A_102 : memref<4x4096xf32, #tpu.memory_space<vmem>>) dst(%dma_wait3A_99 : memref<4x4096xf32, #tpu.memory_space<hbm>>)
      %dma_wait3A_103 = arith.constant 8 : i32
      %dma_wait3A_104 = arith.constant 0 : i32
      %dma_wait3A_105 = tpu.memref_slice %arg6[%dma_wait3A_103, %dma_wait3A_104] : memref<16x4096xf32, #tpu.memory_space<vmem>> -> memref<4x4096xf32, #tpu.memory_space<vmem>>
      %dma_wait3A_106 = arith.constant 0 : i32
      %dma_wait3A_107 = arith.constant 0 : i32
      %dma_wait3A_108 = tpu.memref_slice %arg4[%add3A_44, %dma_wait3A_106, %dma_wait3A_107] : memref<100x4x4096xf32, #tpu.memory_space<hbm>> -> memref<1x4x4096xf32, #tpu.memory_space<hbm>>
      %dma_wait3A_109 = tpu.memref_squeeze %dma_wait3A_108 : memref<1x4x4096xf32, #tpu.memory_space<hbm>> -> memref<4x4096xf32, #tpu.memory_space<hbm>>
      %dma_wait3A_110 = arith.constant 0 : i32
      %dma_wait3A_111 = arith.constant 0 : i32
      %dma_wait3A_112 = tpu.memref_slice %arg4[%add3A_44, %dma_wait3A_110, %dma_wait3A_111] : memref<100x4x4096xf32, #tpu.memory_space<hbm>> -> memref<1x4x4096xf32, #tpu.memory_space<hbm>>
      %dma_wait3A_113 = tpu.memref_squeeze %dma_wait3A_112 : memref<1x4x4096xf32, #tpu.memory_space<hbm>> -> memref<4x4096xf32, #tpu.memory_space<hbm>>
      %dma_wait3A_114 = arith.constant 8 : i32
      %dma_wait3A_115 = arith.constant 0 : i32
      %dma_wait3A_116 = tpu.memref_slice %arg6[%dma_wait3A_114, %dma_wait3A_115] : memref<16x4096xf32, #tpu.memory_space<vmem>> -> memref<4x4096xf32, #tpu.memory_space<vmem>>
      tpu.wait_dma2 semaphore(%arg8 : memref<!tpu.dma_semaphore, #tpu.memory_space<semaphore_mem>>) src(%dma_wait3A_116 : memref<4x4096xf32, #tpu.memory_space<vmem>>) dst(%dma_wait3A_113 : memref<4x4096xf32, #tpu.memory_space<hbm>>)
      %dma_wait3A_117 = arith.constant 12 : i32
      %dma_wait3A_118 = arith.constant 0 : i32
      %dma_wait3A_119 = tpu.memref_slice %arg6[%dma_wait3A_117, %dma_wait3A_118] : memref<16x4096xf32, #tpu.memory_space<vmem>> -> memref<4x4096xf32, #tpu.memory_space<vmem>>
      %dma_wait3A_120 = arith.constant 0 : i32
      %dma_wait3A_121 = arith.constant 0 : i32
      %dma_wait3A_122 = tpu.memref_slice %arg4[%add3A_60, %dma_wait3A_120, %dma_wait3A_121] : memref<100x4x4096xf32, #tpu.memory_space<hbm>> -> memref<1x4x4096xf32, #tpu.memory_space<hbm>>
      %dma_wait3A_123 = tpu.memref_squeeze %dma_wait3A_122 : memref<1x4x4096xf32, #tpu.memory_space<hbm>> -> memref<4x4096xf32, #tpu.memory_space<hbm>>
      %dma_wait3A_124 = arith.constant 0 : i32
      %dma_wait3A_125 = arith.constant 0 : i32
      %dma_wait3A_126 = tpu.memref_slice %arg4[%add3A_60, %dma_wait3A_124, %dma_wait3A_125] : memref<100x4x4096xf32, #tpu.memory_space<hbm>> -> memref<1x4x4096xf32, #tpu.memory_space<hbm>>
      %dma_wait3A_127 = tpu.memref_squeeze %dma_wait3A_126 : memref<1x4x4096xf32, #tpu.memory_space<hbm>> -> memref<4x4096xf32, #tpu.memory_space<hbm>>
      %dma_wait3A_128 = arith.constant 12 : i32
      %dma_wait3A_129 = arith.constant 0 : i32
      %dma_wait3A_130 = tpu.memref_slice %arg6[%dma_wait3A_128, %dma_wait3A_129] : memref<16x4096xf32, #tpu.memory_space<vmem>> -> memref<4x4096xf32, #tpu.memory_space<vmem>>
      tpu.wait_dma2 semaphore(%arg8 : memref<!tpu.dma_semaphore, #tpu.memory_space<semaphore_mem>>) src(%dma_wait3A_130 : memref<4x4096xf32, #tpu.memory_space<vmem>>) dst(%dma_wait3A_127 : memref<4x4096xf32, #tpu.memory_space<hbm>>)
    } else {
    }
    return
  }
}

</mosaic_0001>

<sc_bundles>
// kernel: kernel.3.cloned.1.call-start
scs
__scs_entry_jumppad:
0x0: {  	(pc) =	sbr.rel $0x88, $3  }
0x1: {  	(tag) =	ssettag $0x0;
	lr =	simm.s32 $0x1  }
0x2: {  	[smem:$0x3F9F] =	sst lr;
	_ =	strace $0xD0000000  }
0x3: {  	_ = 	snop  }
0x4: {  	_ = 	snop  }
0x5: {  	_ = 	snop  }
0x6: {  	_ = 	snop  }
0x7: {  	_ = 	snop  }
__scs_overlays_trampoline_lowered:
0x8: {  	[smem:$0x3FAE] =	sst s0  }
0x9: {  	[smem:$0x3FAF] =	sst s1  }
0xa: {  	[smem:$0x3FB0] =	sst s2  }
0xb: {  	[smem:$0x3FB1] =	sst s3  }
0xc: {  	[smem:$0x3FB2] =	sst s4  }
0xd: {  	[smem:$0x3FB3] =	sst s5  }
0xe: {  	[smem:$0x3FB4] =	sst s6  }
0xf: {  	[smem:$0x3FB5] =	sst s7  }
0x10: {  	[smem:$0x3FB6] =	sst s8  }
0x11: {  	[smem:$0x3FB7] =	sst s9;
	s0 =	simm.s32 @!p0 $0x0  }
0x12: {  	s1 =	sld [smem:$0x3F9D];
	s0 =	simm.s32 @p0 $0x1  }
0x13: {  	[smem:$0x3FB8] =	sst s0;
	s0 =	simm.s32 @!p1 $0x0  }
0x14: {  	s2 =	sld [smem:$0x3F9C];
	s0 =	simm.s32 @p1 $0x1  }
0x15: {  	[smem:$0x3FB9] =	sst s0;
	s0 =	simm.s32 @!p2 $0x0  }
0x16: {  	s3 =	sld [smem:$0x3FDB];
	s0 =	simm.s32 @p2 $0x1  }
0x17: {  	s4 =	simm.s32 $0x1BF5;
	[smem:$0x3FBB] =	sst s0  }
0x18: {  	s0 =	sld [smem:$0x3F9E];
	_ =	swait.ge [sflag:s4], $0x0  }
0x19: {  	s7 =	sld [smem:$0x3F9F]  }
0x1a: {  	s8 =	sadd.s32 $0xFFFFE003, lr  }
0x1b: {  	s9 =	sadd.s32 $0xFFFFFEF7, lr;
	s5 =	simm.s32 $0xFFFFFFFF;
	p2 =	slt.u32 s8, $0xFFFFF086  }
0x1c: {  	p1 =	slt.u32 s9, $0xF7A;
	s5 =	simm.s32 @!p2 $0x0  }
0x1d: {  	s5 =	simm.s32 @p1 $0x1;
	p0 =	seq.s32 s7, s2  }
0x1e: {  	s7 =	smul.u32 @!p0 $0xF7A, s2;
	p2 =	seq.s32 @!p0 s5, $0x0  }
0x1f: {  	s9 =	smul.u32 $0xF7A, s1;
	s8 =	simm.s32 @!p0 $0x1BF5;
	p2 =	por !p2, p0  }
0x20: {  	[sflag:s8] =	ssyncset.s32 @!p0 $0xFFFFF086;
	s6 =	sadd.s32 @!p0 s3, s7;
	s7 =	simm.s32 @!p0 $0x108  }
0x21: {  	s3 =	sadd.s32 s3, s9;
	s6 =	sadd.s32 @!p0 $0x88, s6;
	s7 =	simm.s32 @p2 $0x1082  }
0x22: {  	[simem:s7], [sflag:s8] =	dma.local @!p0 [hbm:s6], $0xF7A  }
0x23: {  	s9 =	sor.u32 $0xD0000000, s2;
	s6 =	simm.s32 $0x108;
	_ =	swait.ge @!p0 [sflag:s8], $0x0  }
0x24: {  	s3 =	sadd.s32 $0x88, s3;
	s6 =	simm.s32 @!p1 $0x1082;
	[sflag:s4] =	ssyncset.s32 $0xFFFFF086  }
0x25: {  	[simem:s6], [sflag:s4] =	dma.local [hbm:s3], $0xF7A  }
0x26: {  	[smem:$0x3F9F] =	sst s1;
	(tag) =	ssettag s2;
	_ =	strace s9  }
0x27: {  	s1 =	sld [smem:$0x3FAF]  }
0x28: {  	s2 =	sld [smem:$0x3FB0]  }
0x29: {  	s4 =	sld [smem:$0x3FB2]  }
0x2a: {  	p0 =	seq.s32 s5, $0x0;
	s5 =	sld [smem:$0x3FB3]  }
0x2b: {  	s6 =	sld [smem:$0x3FB4]  }
0x2c: {  	s7 =	sld [smem:$0x3FB5]  }
0x2d: {  	s3 =	simm.s32 $0x108;
	s8 =	sld [smem:$0x3FB6]  }
0x2e: {  	s3 =	simm.s32 @!p0 $0x1082;
	s9 =	sld [smem:$0x3FB7]  }
0x2f: {  	lr =	sadd.s32 s0, s3;
	s0 =	sld [smem:$0x3FAE]  }
0x30: {  	s3 =	sld [smem:$0x3FB1]  }
0x31: {  	[smem:$0x3FBA] =	sst s10  }
0x32: {  	s10 =	sld [smem:$0x3FB8];
	_ =	sdelay $0x3  }
0x33: {  	p0 =	seq.s32 s10, $0x1;
	s10 =	sld [smem:$0x3FBA];
	_ =	sdelay $0x3  }
0x34: {  	[smem:$0x3FBA] =	sst s10  }
0x35: {  	s10 =	sld [smem:$0x3FB9];
	_ =	sdelay $0x3  }
0x36: {  	p1 =	seq.s32 s10, $0x1;
	s10 =	sld [smem:$0x3FBA];
	_ =	sdelay $0x3  }
0x37: {  	[smem:$0x3FBA] =	sst s10  }
0x38: {  	s10 =	sld [smem:$0x3FBB]  }
0x39: {  	_ = 	snop;
	(pc) =	sbr.ind lr, $3  }
0x3a: {  	_ = 	snop  }
0x3b: {  	_ = 	snop  }
0x3c: {  	p2 =	seq.s32 s10, $0x1;
	s10 =	sld [smem:$0x3FBA]  }
0x3d: {  	_ =	shalt  }
0x3e: {  	_ =	shalt  }
0x3f: {  	_ =	shalt  }
0x40: {  	_ =	shalt  }
0x41: {  	_ =	shalt  }
0x42: {  	_ =	shalt  }
0x43: {  	_ =	shalt  }
0x44: {  	_ =	shalt  }
0x45: {  	_ =	shalt  }
0x46: {  	_ =	shalt  }
0x47: {  	_ =	shalt  }
0x48: {  	_ =	shalt  }
0x49: {  	_ =	shalt  }
0x4a: {  	_ =	shalt  }
0x4b: {  	_ =	shalt  }
0x4c: {  	_ =	shalt  }
0x4d: {  	_ =	shalt  }
0x4e: {  	_ =	shalt  }
0x4f: {  	_ =	shalt  }
0x50: {  	_ =	shalt  }
0x51: {  	_ =	shalt  }
0x52: {  	_ =	shalt  }
0x53: {  	_ =	shalt  }
0x54: {  	_ =	shalt  }
0x55: {  	_ =	shalt  }
0x56: {  	_ =	shalt  }
0x57: {  	_ =	shalt  }
0x58: {  	_ =	shalt  }
0x59: {  	_ =	shalt  }
0x5a: {  	_ =	shalt  }
0x5b: {  	_ =	shalt  }
0x5c: {  	_ =	shalt  }
0x5d: {  	_ =	shalt  }
0x5e: {  	_ =	shalt  }
0x5f: {  	_ =	shalt  }
0x60: {  	_ =	shalt  }
0x61: {  	_ =	shalt  }
0x62: {  	_ =	shalt  }
0x63: {  	_ =	shalt  }
0x64: {  	_ =	shalt  }
0x65: {  	_ =	shalt  }
0x66: {  	_ =	shalt  }
0x67: {  	_ =	shalt  }
0x68: {  	_ =	shalt  }
0x69: {  	_ =	shalt  }
0x6a: {  	_ =	shalt  }
0x6b: {  	_ =	shalt  }
0x6c: {  	_ =	shalt  }
0x6d: {  	_ =	shalt  }
0x6e: {  	_ =	shalt  }
0x6f: {  	_ =	shalt  }
0x70: {  	_ =	shalt  }
0x71: {  	_ =	shalt  }
0x72: {  	_ =	shalt  }
0x73: {  	_ =	shalt  }
0x74: {  	_ =	shalt  }
0x75: {  	_ =	shalt  }
0x76: {  	_ =	shalt  }
0x77: {  	_ =	shalt  }
0x78: {  	_ =	shalt  }
0x79: {  	_ =	shalt  }
0x7a: {  	_ =	shalt  }
0x7b: {  	_ =	shalt  }
0x7c: {  	_ =	shalt  }
0x7d: {  	_ =	shalt  }
0x7e: {  	_ =	shalt  }
0x7f: {  	_ =	shalt  }
0x80: {  	_ =	shalt  }
0x81: {  	_ =	shalt  }
0x82: {  	_ =	shalt  }
0x83: {  	_ =	shalt  }
0x84: {  	_ =	shalt  }
0x85: {  	_ =	shalt  }
0x86: {  	_ =	shalt  }
0x87: {  	_ =	shalt  }
.Lfunc_end0:
.L_simem_size_0:
called_computation_lowered:
.L_overlay_start_0:
0x88: {  	s2 =	sld [smem:$0x3FD9]  }
0x89: {  	s3 =	sld [smem:$0x3FFE];
	_ =	sdelay $0x1  }
0x8a: {  	s1 =	srdreg.scid  }
0x8b: {  	s0 =	sand.u32 $0x1, s1  }
0x8c: {  	s17 =	sshll.u32 s0, $0xA;
	s2 =	sadd.s32 s3, s2  }
0x8d: {  	s2 =	sadd.s32 s2, s17  }
0x8e: {  	[smem:$0x3FC6] =	sst s2  }
0x8f: {  	_ = 	snop  }
0x90: {  	s2 =	sld [smem:$0x3FC8]  }
0x91: {  	s18 =	sld [smem:$0x3FD0];
	(tm) =	ssettm $0x1  }
0x92: {  	s4 =	sld [smem:$0x3FFB];
	_ =	sdelay $0x3  }
0x93: {  	_ =	strace s4  }
0x94: {  	s4 =	sld [smem:$0x3FFC];
	_ =	sdelay $0x3  }
0x95: {  	_ =	strace s4  }
0x96: {  	s4 =	sld [smem:$0x3FFD];
	_ =	sdelay $0x3  }
0x97: {  	_ =	strace s4  }
0x98: {  	_ =	strace $0x8FFFFFFF  }
0x99: {  	s19 =	sld [smem:$0x3FDB];
	_ =	sdelay $0x1  }
0x9a: {  	s5 =	simm.s32 $_scs_section_size  }
0x9b: {  	s6 =	simm.s32 $_size__tile_overlayer_lowered;
	s7 =	simm.s32 $_tile_overlayer_lowered  }
0x9c: {  	s22 =	simm.s32 $0x1BFF;
	s21 =	sshll.u32 s7, $0x1;
	s4 =	sadd.s32 s5, s19  }
0x9d: {  	s8 =	simm.s32 $0x0;
	s20 =	sshll.u32 s6, $0x1;
	s6 =	sadd.s32 s21, s4  }
0x9e: {  	[timem:s8], [sflag:s22] =	dma.local [hbm:s6], s20  }
0x9f: {  	_ =	swait.ge [sflag:s22], s20  }
0xa0: {  	s5 =	ssub.s32 $0x0, s20;
	[sflag:s22] =	ssyncset.done $0x0  }
0xa1: {  	[sflag:s22] =	ssyncadd.s32 s5;
	_ =	sdelay $0x1  }
0xa2: {  	s23 =	simm.s32 $0x1B8B  }
0xa3: {  	_ =	swait.ge [sflag:s23], $0x1  }
0xa4: {  	[sflag:s23] =	ssyncset.done $0x0  }
0xa5: {  	s25 =	simm.s32 $0x1B8E;
	s24 =	sld [smem:$0x3FFE];
	[sflag:s23] =	ssyncadd.s32 $0xFFFFFFFF  }
0xa6: {  	s26 =	simm.s32 $execute0_lowered;
	[smem:$0x3FD2] =	sst s25  }
0xa7: {  	s6 =	sshll.u32 s26, $0x1;
	_ =	strace $0x80000046;
	[dreg:$0x1] =	wrdreg $0xFFFFFFFF  }
0xa8: {  	s28 =	simm.s32 $_size_execute0_lowered;
	s4 =	sadd.s32 s4, s6;
	[dreg:$0x0] =	wrdreg $0x0  }
0xa9: {  	s6 =	sshll.u32 s28, $0x1;
	[dreg:$0x2] =	wrdreg s4  }
0xaa: {  	[dreg:$0x3] =	wrdreg s6  }
0xab: {  	[dreg:$0x4] =	wrdreg $0xC0  }
0xac: {  	_ =	task [dreg:s8], $0x5FFFF  }
0xad: {  	[dreg:$0x1] =	wrdreg $0xFFFFFFFF  }
0xae: {  	[dreg:$0x0] =	wrdreg $0x60  }
0xaf: {  	[dreg:$0x2] =	wrdreg s24  }
0xb0: {  	[dreg:$0x3] =	wrdreg s2  }
0xb1: {  	[dreg:$0x4] =	wrdreg s18  }
0xb2: {  	[dreg:$0x5] =	wrdreg $0x9  }
0xb3: {  	_ =	task.clear_ibuf [dreg:s8], $0x6FFFF;
	_ =	strace $0x90000046  }
0xb4: {  	s29 =	simm.s32 $0x9;
	_ =	strace $0x80000048  }
0xb5: {  	_ =	swait.ge [sflag:s29], $0x1  }
0xb6: {  	[sflag:s29] =	ssyncadd.s32 $0xFFFFFFFF  }
0xb7: {  	_ =	strace $0x90000048  }
0xb8: {  	_ =	sfence  }
0xb9: {  	s30 =	sld [smem:$0x0];
	_ =	sdelay $0x2  }
0xba: {  	s31 =	sshll.u32 s1, $0xD;
	s1 =	sshrl.u32 s1, $0x2  }
0xbb: {  	s3 =	sand.u32 $0x4000, s31;
	s1 =	sadd.s32 s1, s30  }
0xbc: {  	s0 =	sor.u32 s3, s0;
	s1 =	sshll.u32 s1, $0x11  }
0xbd: {  	s0 =	sor.u32 s1, s0  }
0xbe: {  	s0 =	sadd.s32 $0x8F2B, s0  }
0xbf: {  	[sflag:s0] =	ssyncadd.remote.s32 $0x1  }
0xc0: {  	_ =	sfence.sel $0xFFFF  }
0xc1: {  	[dreg:$0x0] =	wrdreg $0xFFFFFFFF;
	(pc) =	sbr.abs _section_cstart, $3  }
0xc2: {  	[dreg:$0x1] =	wrdreg $0xFFFFFFFF  }
0xc3: {  	_ =	task.clear_ibuf [dreg:s8], $0x2FFFF;
	_ =	strace $0x9FFFFFFF  }
0xc4: {  	(tm) =	ssettm $0x7FFFFFFF  }
0xc5: {  	_ =	shalt  }
tec
execute0_lowered:
.L_overlay_start_1:
0x0: {  	(tag) =	ssettag $0x1  }
0x1: {  	s0 =	srdreg.scid;
	s1 =	stileid.u32  }
0x2: {  	s0 =	sand.u32 $0x1, s0;
	s1 =	sshll.u32 s1, $0x1  }
0x3: {  	s1 =	sor.u32 s0, s1  }
0x4: {  	p0 =	sgt.u32 s1, $0x18  }
.Ltmp0:
0x5: {  	_ = 	snop;
	(pc) =	sbr.rel @p0 .LBB2_11-.Ltmp0, $4  }
0x6: {  	s4 =	rddreg [dreg:$0x0]  }
0x7: {  	s2 =	rddreg [dreg:$0x1];
	s3 =	simm.s32 $0x0  }
0x8: {  	[smem:$0x7FF] =	sst s3  }
0x9: {  	s18 =	rddreg [dreg:$0x2];
	_ =	strace $0x80000047  }
0xa: {  	s23 =	sadd.s32 $0x400, s4  }
0xb: {  	s4 =	sadd.s32 $0x100, s2;
	s5 =	sadd.s32 $0x200, s2;
	s6 =	sadd.s32 $0x300, s2  }
0xc: {  	s7 =	sadd.s32 $0x400, s2;
	s8 =	sadd.s32 $0x500, s2;
	s9 =	sadd.s32 $0x600, s2  }
0xd: {  	s10 =	sadd.s32 $0x700, s2;
	s11 =	sadd.s32 $0x800, s2;
	s12 =	sadd.s32 $0x900, s2  }
0xe: {  	s13 =	sadd.s32 $0xA00, s2;
	s14 =	sadd.s32 $0xB00, s2;
	s15 =	sadd.s32 $0xC00, s2  }
0xf: {  	s19 =	sshll.u32 s1, $0xD;
	s16 =	sadd.s32 $0xD00, s2;
	s17 =	sadd.s32 $0xE00, s2  }
0x10: {  	s0 =	ssub.s32 $0x2, s0;
	s29 =	sshll.u32 s1, $0x1;
	s25 =	simm.s32 $0x3  }
0x11: {  	s30 =	simm.s32 $0x1;
	s31 =	simm.s32 $0x2;
	s1 =	simm.s32 $0x0  }
0x12: {  	v2 =	vlaneseq.u32;
	s18 =	sadd.s32 s18, s19;
	s19 =	sadd.s32 $0xF00, s2;
	s24 =	sshrl.u32 s0, $0x1  }
0x13: {  	vm0 =	vmmov $0xffff;
	s23 =	sadd.s32 s23, s29;
	v1 =	vshrl.u32 v2, $0x3;
	s20 =	sadd.s32 $0x800, s18;
	s0 =	ssub.s32 s0, s24  }
0x14: {  	v0 =	vand.u32 $0x7, v2;
	v2 =	vor.u32 $0x8, v2;
	s21 =	sadd.s32 $0x1000, s18;
	s22 =	sadd.s32 $0x1800, s18;
	v1 =	vmul.u32 $0x8, v1;
	s24 =	smax.u32 s0, $0x1  }
.LBB2_2:
0x15: {  	s26 =	simm.s32 $0x0  }
0x16: {  	[tilespmem:s26], [sflag:$0x3] =	stream.linear.gather [hbm4b:s23+s26], $0x10, $0x38;
	[tilespmem:$0x10080] =	vst v63  }
0x17: {  	_ =	swait.ge [sflag:s25], $0x10  }
0x18: {  	[sflag:s25] =	ssyncset.done $0x0  }
0x19: {  	[sflag:s25] =	ssyncadd.s32 $0xFFFFFFF0  }
0x1a: {  	v3 =	vld [tilespmem:$0x0];
	_ =	sdelay $0x4  }
0x1b: {  	v4 =	vshll.u32 v3, $0x5  }
0x1c: {  	v3 =	vand.u32 $0x7, v3;
	v4 =	vand.u32 $0xFFFFFF00, v4  }
0x1d: {  	v3 =	vor.u32 v3, v4  }
0x1e: {  	v4 =	vperm.xlane v3, v0;
	_ =	sdelay $0x1  }
0x1f: {  	v4 =	vadd.s32 v1, v4;
	_ =	sdelay $0x3  }
0x20: {  	s0 =	simm.s32 $0x80  }
0x21: {  	[tilespmem:s0], [sflag:$0x1] =	stream.indirect_vreg.gather [hbm4b:s2+s26], $0x80, v4, vm0, $0xb8;
	[tilespmem:$0x10080] =	vst v63  }
0x22: {  	s28 =	simm.s32 $0x880  }
0x23: {  	[tilespmem:s28], [sflag:$0x1] =	stream.indirect_vreg.gather [hbm4b:s4+s26], $0x80, v4, vm0, $0xb8;
	[tilespmem:$0x10080] =	vst v63  }
0x24: {  	s28 =	simm.s32 $0x1080  }
0x25: {  	[tilespmem:s28], [sflag:$0x1] =	stream.indirect_vreg.gather [hbm4b:s5+s26], $0x80, v4, vm0, $0xb8;
	[tilespmem:$0x10080] =	vst v63  }
0x26: {  	s28 =	simm.s32 $0x1880  }
0x27: {  	[tilespmem:s28], [sflag:$0x1] =	stream.indirect_vreg.gather [hbm4b:s6+s26], $0x80, v4, vm0, $0xb8;
	[tilespmem:$0x10080] =	vst v63  }
0x28: {  	s28 =	simm.s32 $0x2080  }
0x29: {  	[tilespmem:s28], [sflag:$0x1] =	stream.indirect_vreg.gather [hbm4b:s7+s26], $0x80, v4, vm0, $0xb8;
	[tilespmem:$0x10080] =	vst v63  }
0x2a: {  	s28 =	simm.s32 $0x2880  }
0x2b: {  	[tilespmem:s28], [sflag:$0x1] =	stream.indirect_vreg.gather [hbm4b:s8+s26], $0x80, v4, vm0, $0xb8;
	[tilespmem:$0x10080] =	vst v63  }
0x2c: {  	s28 =	simm.s32 $0x3080  }
0x2d: {  	[tilespmem:s28], [sflag:$0x1] =	stream.indirect_vreg.gather [hbm4b:s9+s26], $0x80, v4, vm0, $0xb8;
	[tilespmem:$0x10080] =	vst v63  }
0x2e: {  	s28 =	simm.s32 $0x3880  }
0x2f: {  	[tilespmem:s28], [sflag:$0x1] =	stream.indirect_vreg.gather [hbm4b:s10+s26], $0x80, v4, vm0, $0xb8;
	[tilespmem:$0x10080] =	vst v63  }
0x30: {  	s28 =	simm.s32 $0x4080  }
0x31: {  	[tilespmem:s28], [sflag:$0x1] =	stream.indirect_vreg.gather [hbm4b:s11+s26], $0x80, v4, vm0, $0xb8;
	[tilespmem:$0x10080] =	vst v63  }
0x32: {  	s28 =	simm.s32 $0x4880  }
0x33: {  	[tilespmem:s28], [sflag:$0x1] =	stream.indirect_vreg.gather [hbm4b:s12+s26], $0x80, v4, vm0, $0xb8;
	[tilespmem:$0x10080] =	vst v63  }
0x34: {  	s28 =	simm.s32 $0x5080  }
0x35: {  	[tilespmem:s28], [sflag:$0x1] =	stream.indirect_vreg.gather [hbm4b:s13+s26], $0x80, v4, vm0, $0xb8;
	[tilespmem:$0x10080] =	vst v63  }
0x36: {  	s28 =	simm.s32 $0x5880  }
0x37: {  	[tilespmem:s28], [sflag:$0x1] =	stream.indirect_vreg.gather [hbm4b:s14+s26], $0x80, v4, vm0, $0xb8;
	[tilespmem:$0x10080] =	vst v63  }
0x38: {  	s28 =	simm.s32 $0x6080  }
0x39: {  	[tilespmem:s28], [sflag:$0x1] =	stream.indirect_vreg.gather [hbm4b:s15+s26], $0x80, v4, vm0, $0xb8;
	[tilespmem:$0x10080] =	vst v63  }
0x3a: {  	v3 =	vperm.xlane v3, v2;
	s28 =	simm.s32 $0x6880  }
0x3b: {  	[tilespmem:s28], [sflag:$0x1] =	stream.indirect_vreg.gather [hbm4b:s16+s26], $0x80, v4, vm0, $0xb8;
	[tilespmem:$0x10080] =	vst v63  }
0x3c: {  	v3 =	vadd.s32 v1, v3;
	s28 =	simm.s32 $0x7080  }
0x3d: {  	[tilespmem:s28], [sflag:$0x1] =	stream.indirect_vreg.gather [hbm4b:s17+s26], $0x80, v4, vm0, $0xb8;
	[tilespmem:$0x10080] =	vst v63  }
0x3e: {  	s28 =	simm.s32 $0x7880  }
0x3f: {  	[tilespmem:s28], [sflag:$0x1] =	stream.indirect_vreg.gather [hbm4b:s19+s26], $0x80, v4, vm0, $0xb8;
	[tilespmem:$0x10080] =	vst v63  }
0x40: {  	s28 =	simm.s32 $0x8080  }
0x41: {  	[tilespmem:s28], [sflag:$0x1] =	stream.indirect_vreg.gather [hbm4b:s2+s26], $0x80, v3, vm0, $0xb8;
	[tilespmem:$0x10080] =	vst v63  }
0x42: {  	s28 =	simm.s32 $0x8880  }
0x43: {  	[tilespmem:s28], [sflag:$0x1] =	stream.indirect_vreg.gather [hbm4b:s4+s26], $0x80, v3, vm0, $0xb8;
	[tilespmem:$0x10080] =	vst v63  }
0x44: {  	s28 =	simm.s32 $0x9080  }
0x45: {  	[tilespmem:s28], [sflag:$0x1] =	stream.indirect_vreg.gather [hbm4b:s5+s26], $0x80, v3, vm0, $0xb8;
	[tilespmem:$0x10080] =	vst v63  }
0x46: {  	s28 =	simm.s32 $0x9880  }
0x47: {  	[tilespmem:s28], [sflag:$0x1] =	stream.indirect_vreg.gather [hbm4b:s6+s26], $0x80, v3, vm0, $0xb8;
	[tilespmem:$0x10080] =	vst v63  }
0x48: {  	s28 =	simm.s32 $0xA080  }
0x49: {  	[tilespmem:s28], [sflag:$0x1] =	stream.indirect_vreg.gather [hbm4b:s7+s26], $0x80, v3, vm0, $0xb8;
	[tilespmem:$0x10080] =	vst v63  }
0x4a: {  	s28 =	simm.s32 $0xA880  }
0x4b: {  	[tilespmem:s28], [sflag:$0x1] =	stream.indirect_vreg.gather [hbm4b:s8+s26], $0x80, v3, vm0, $0xb8;
	[tilespmem:$0x10080] =	vst v63  }
0x4c: {  	s28 =	simm.s32 $0xB080  }
0x4d: {  	[tilespmem:s28], [sflag:$0x1] =	stream.indirect_vreg.gather [hbm4b:s9+s26], $0x80, v3, vm0, $0xb8;
	[tilespmem:$0x10080] =	vst v63  }
0x4e: {  	s28 =	simm.s32 $0xB880  }
0x4f: {  	[tilespmem:s28], [sflag:$0x1] =	stream.indirect_vreg.gather [hbm4b:s10+s26], $0x80, v3, vm0, $0xb8;
	[tilespmem:$0x10080] =	vst v63  }
0x50: {  	s28 =	simm.s32 $0xC080  }
0x51: {  	[tilespmem:s28], [sflag:$0x1] =	stream.indirect_vreg.gather [hbm4b:s11+s26], $0x80, v3, vm0, $0xb8;
	[tilespmem:$0x10080] =	vst v63  }
0x52: {  	s28 =	simm.s32 $0xC880  }
0x53: {  	[tilespmem:s28], [sflag:$0x1] =	stream.indirect_vreg.gather [hbm4b:s12+s26], $0x80, v3, vm0, $0xb8;
	[tilespmem:$0x10080] =	vst v63  }
0x54: {  	s28 =	simm.s32 $0xD080  }
0x55: {  	[tilespmem:s28], [sflag:$0x1] =	stream.indirect_vreg.gather [hbm4b:s13+s26], $0x80, v3, vm0, $0xb8;
	[tilespmem:$0x10080] =	vst v63  }
0x56: {  	s28 =	simm.s32 $0xD880  }
0x57: {  	[tilespmem:s28], [sflag:$0x1] =	stream.indirect_vreg.gather [hbm4b:s14+s26], $0x80, v3, vm0, $0xb8;
	[tilespmem:$0x10080] =	vst v63  }
0x58: {  	s28 =	simm.s32 $0xE080  }
0x59: {  	[tilespmem:s28], [sflag:$0x1] =	stream.indirect_vreg.gather [hbm4b:s15+s26], $0x80, v3, vm0, $0xb8;
	[tilespmem:$0x10080] =	vst v63  }
0x5a: {  	s28 =	simm.s32 $0xE880  }
0x5b: {  	[tilespmem:s28], [sflag:$0x1] =	stream.indirect_vreg.gather [hbm4b:s16+s26], $0x80, v3, vm0, $0xb8;
	[tilespmem:$0x10080] =	vst v63  }
0x5c: {  	s28 =	simm.s32 $0xF080  }
0x5d: {  	[tilespmem:s28], [sflag:$0x1] =	stream.indirect_vreg.gather [hbm4b:s17+s26], $0x80, v3, vm0, $0xb8;
	[tilespmem:$0x10080] =	vst v63  }
0x5e: {  	s28 =	simm.s32 $0xF880  }
0x5f: {  	[tilespmem:s28], [sflag:$0x1] =	stream.indirect_vreg.gather [hbm4b:s19+s26], $0x80, v3, vm0, $0xb8;
	[tilespmem:$0x10080] =	vst v63  }
0x60: {  	_ =	swait.ge [sflag:s30], $0x10000  }
0x61: {  	s29 =	sadd.s32 $0x0, s18;
	[sflag:s30] =	ssyncset.done $0x0  }
0x62: {  	s26 =	simm.s32 $0x40;
	s28 =	simm.s32 $0x480;
	[sflag:s30] =	ssyncadd.s32 $0xFFFF0000  }
.LBB2_3:
0x63: {  	[hbm4b:s29+s3] =	stream.linear.scatter [tilespmem:s0], [sflag:$0x2], $0x200, $0x38;
	[tilespmem:$0x10080] =	vst v63  }
0x64: {  	s29 =	smov.u32 s26;
	s0 =	smov.u32 s28;
	p0 =	sne.s32 s26, $0x7C0  }
.Ltmp1:
0x65: {  	s26 =	sadd.s32 $0x40, s26;
	(pc) =	sbr.rel @p0 .LBB2_3-.Ltmp1, $2  }
0x66: {  	_ =	sdelay $0x2  }
0x67: {  	s28 =	sadd.s32 $0x400, s28;
	s29 =	sadd.s32 s29, s18  }
0x68: {  	[hbm4b:s29+s3] =	stream.linear.scatter [tilespmem:s0], [sflag:$0x2], $0x200, $0x38;
	[tilespmem:$0x10080] =	vst v63  }
0x69: {  	s0 =	simm.s32 $0x280  }
0x6a: {  	s26 =	simm.s32 $0x40;
	s29 =	sadd.s32 $0x0, s20;
	s28 =	simm.s32 $0x680  }
.LBB2_5:
0x6b: {  	[hbm4b:s29+s3] =	stream.linear.scatter [tilespmem:s0], [sflag:$0x2], $0x200, $0x38;
	[tilespmem:$0x10080] =	vst v63  }
0x6c: {  	s29 =	smov.u32 s26;
	s0 =	smov.u32 s28;
	p0 =	sne.s32 s26, $0x7C0  }
.Ltmp2:
0x6d: {  	s26 =	sadd.s32 $0x40, s26;
	(pc) =	sbr.rel @p0 .LBB2_5-.Ltmp2, $2  }
0x6e: {  	_ =	sdelay $0x2  }
0x6f: {  	s28 =	sadd.s32 $0x400, s28;
	s29 =	sadd.s32 s29, s20  }
0x70: {  	[hbm4b:s29+s3] =	stream.linear.scatter [tilespmem:s0], [sflag:$0x2], $0x200, $0x38;
	[tilespmem:$0x10080] =	vst v63  }
0x71: {  	s0 =	simm.s32 $0x8080  }
0x72: {  	s26 =	simm.s32 $0x40;
	s29 =	sadd.s32 $0x0, s21;
	s28 =	simm.s32 $0x8480  }
.LBB2_7:
0x73: {  	[hbm4b:s29+s3] =	stream.linear.scatter [tilespmem:s0], [sflag:$0x2], $0x200, $0x38;
	[tilespmem:$0x10080] =	vst v63  }
0x74: {  	s29 =	smov.u32 s26;
	s0 =	smov.u32 s28;
	p0 =	sne.s32 s26, $0x7C0  }
.Ltmp3:
0x75: {  	s26 =	sadd.s32 $0x40, s26;
	(pc) =	sbr.rel @p0 .LBB2_7-.Ltmp3, $2  }
0x76: {  	_ =	sdelay $0x2  }
0x77: {  	s28 =	sadd.s32 $0x400, s28;
	s29 =	sadd.s32 s29, s21  }
0x78: {  	[hbm4b:s29+s3] =	stream.linear.scatter [tilespmem:s0], [sflag:$0x2], $0x200, $0x38;
	[tilespmem:$0x10080] =	vst v63  }
0x79: {  	s0 =	simm.s32 $0x8280  }
0x7a: {  	s26 =	simm.s32 $0x40;
	s29 =	sadd.s32 $0x0, s22;
	s28 =	simm.s32 $0x8680  }
.LBB2_9:
0x7b: {  	[hbm4b:s29+s3] =	stream.linear.scatter [tilespmem:s0], [sflag:$0x2], $0x200, $0x38;
	[tilespmem:$0x10080] =	vst v63  }
0x7c: {  	s29 =	smov.u32 s26;
	s0 =	smov.u32 s28;
	p0 =	sne.s32 s26, $0x7C0  }
.Ltmp4:
0x7d: {  	s26 =	sadd.s32 $0x40, s26;
	(pc) =	sbr.rel @p0 .LBB2_9-.Ltmp4, $2  }
0x7e: {  	_ =	sdelay $0x2  }
0x7f: {  	s28 =	sadd.s32 $0x400, s28;
	s29 =	sadd.s32 s29, s22  }
0x80: {  	[hbm4b:s29+s3] =	stream.linear.scatter [tilespmem:s0], [sflag:$0x2], $0x200, $0x38;
	[tilespmem:$0x10080] =	vst v63  }
0x81: {  	_ =	swait.ge [sflag:s31], $0x4000  }
0x82: {  	[sflag:s31] =	ssyncset.done $0x0  }
0x83: {  	[sflag:s31] =	ssyncadd.s32 $0xFFFFC000  }
0x84: {  	_ =	swait.ge [sflag:s31], $0x4000  }
0x85: {  	[sflag:s31] =	ssyncset.done $0x0  }
0x86: {  	s1 =	sadd.s32 $0x1, s1;
	[sflag:s31] =	ssyncadd.s32 $0xFFFFC000  }
0x87: {  	p0 =	sne.s32 s1, s24;
	_ =	swait.ge [sflag:s31], $0x4000  }
.Ltmp5:
0x88: {  	[sflag:s31] =	ssyncset.done $0x0;
	(pc) =	sbr.rel @p0 .LBB2_2-.Ltmp5, $4  }
0x89: {  	[sflag:s31] =	ssyncadd.s32 $0xFFFFC000  }
0x8a: {  	_ =	swait.ge [sflag:s31], $0x4000  }
0x8b: {  	[sflag:s31] =	ssyncset.done $0x0  }
0x8c: {  	[sflag:s31] =	ssyncadd.s32 $0xFFFFC000  }
.LBB2_11:
0x8d: {  	_ =	sfence.sel $0x180000  }
0x8e: {  	[bflag:$0x0] =	sbarrier.arrive $0xFFFF  }
0x8f: {  	_ =	strace $0x90000047  }
0x90: {  	s0 =	stileid.u32;
	[bflag:$0x2] =	sbarrier.arrive $0xFFFF  }
0x91: {  	p0 =	sne.s32 s0, $0x0;
	s0 =	rddreg [dreg:$0x3]  }
0x92: {  	s0 =	sadd.s32 @!p0 $0x100000, s0  }
0x93: {  	[sflag:s0] =	ssyncadd.tile.s32 @!p0 $0x1;
	_ =	shalt  }
.Lfunc_end2:
_tile_overlayer_lowered:
.L_overlay_start_2:
0x94: {  	(tag) =	ssettag $0x2  }
0x95: {  	s0 =	rddreg [dreg:$0x0];
	s2 =	stileid.u32  }
0x96: {  	s1 =	rddreg [dreg:$0x1];
	p0 =	sne.s32 s2, $0x0  }
0x97: {  	s3 =	rddreg [dreg:$0x2];
	[bflag:$0x3] =	sbarrier.arrive $0xFFFF;
	s2 =	simm.s32 @!p0 $0x1C03  }
0x98: {  	[timem:s3], [sflag:s2] =	dma.local @!p0 [hbm:s0], s1  }
0x99: {  	s0 =	simm.s32 @!p0 $0x3  }
0x9a: {  	_ =	swait.ge @!p0 [sflag:s0], s1  }
0x9b: {  	s1 =	ssub.s32 @!p0 $0x0, s1;
	[sflag:s0] =	ssyncset.done @!p0 $0x0  }
0x9c: {  	[sflag:s0] =	ssyncadd.s32 @!p0 s1  }
0x9d: {  	[bflag:$0x3] =	sbarrier.arrive $0xFFFF  }
0x9e: {  	_ =	shalt  }

</sc_bundles>
